<compile_context>
chip_gen: v7x
topology: tpu7x:2x2x1
jax: 0.10.2.dev20260603
libtpu: 0.0.44.dev20260713+nightly
codegen_flags: <defaults>
</compile_context>

<pallas_src>
import jax
import jax.numpy as jnp
from jax import lax
from jax.experimental import pallas as pl
from jax.experimental.pallas import tpu as pltpu
from jax.experimental.pallas import tpu_sc as plsc

DIM = 64
DENSE = 128

NC = 2
NS = 16
NW = NC * NS
CHUNK = 128

RING = 5
AHEAD = 3


def _sc_gather_body(table_hbm, idx_hbm, out_hbm, idx_v, *rest):
    bufs = list(rest[:RING])
    gsem = list(rest[RING:2 * RING])
    wsem = list(rest[2 * RING:3 * RING])
    wid = lax.axis_index("s") * NC + lax.axis_index("c")
    nch = idx_hbm.shape[0] // NW
    base_row = wid * nch
    pltpu.sync_copy(idx_hbm.at[pl.ds(base_row, nch)], idx_v)

    def out_slice(g):
        return out_hbm.at[pl.ds((base_row + g) * CHUNK, CHUNK)]

    def gather(g, b):
        return pltpu.make_async_copy(table_hbm.at[idx_v.at[g]], bufs[b],
                                     gsem[b])

    def write(g, b):
        return pltpu.make_async_copy(bufs[b], out_slice(g), wsem[b])

    for j in range(AHEAD):
        gather(j, j).start()

    def body(i, carry):
        for j in range(RING):
            g = i * RING + j
            bn = (j + AHEAD) % RING

            @pl.when(g + AHEAD - RING >= 0)
            def _():
                write(g + AHEAD - RING, bn).wait()

            @pl.when(g + AHEAD < nch)
            def _():
                gather(g + AHEAD, bn).start()

            gather(g, j).wait()
            write(g, j).start()
        return carry

    lax.fori_loop(0, nch // RING, body, 0)
    for k in range(RING - AHEAD):
        g = nch - (RING - AHEAD) + k
        write(g, g % RING).wait()


def _tc_fold_body(t_ref, w_ref, b_ref, out_ref):
    acc = lax.dot_general(t_ref[...], w_ref[...], (((0,), (0,)), ((), ())),
                          preferred_element_type=jnp.float32)
    out_ref[...] = jnp.tanh(acc + b_ref[...])


def kernel(indices, table, W, b):
    B, L = indices.shape
    N = B * L
    V = table.shape[0]
    assert N % (NW * CHUNK) == 0 and (N // CHUNK // NW) % RING == 0
    idx2d = jnp.maximum(indices.reshape(N // CHUNK, CHUNK), 0)

    FBLK = 16384
    fold = pl.pallas_call(
        _tc_fold_body,
        grid=(pl.cdiv(V, FBLK),),
        in_specs=[
            pl.BlockSpec((DIM, FBLK), lambda i: (0, i)),
            pl.BlockSpec((DIM, DENSE), lambda i: (0, 0)),
            pl.BlockSpec((1, DENSE), lambda i: (0, 0)),
        ],
        out_specs=pl.BlockSpec((FBLK, DENSE), lambda i: (i, 0)),
        out_shape=jax.ShapeDtypeStruct((V, DENSE), jnp.float32),
    )(table.T, W, b.reshape(1, DENSE))

    mesh = plsc.VectorSubcoreMesh(core_axis_name="c", subcore_axis_name="s")
    gather = pl.kernel(
        _sc_gather_body,
        out_type=jax.ShapeDtypeStruct((N, DENSE), jnp.float32),
        mesh=mesh,
        scratch_types=(
            [pltpu.VMEM((N // CHUNK // NW, CHUNK), jnp.int32)]
            + [pltpu.VMEM((CHUNK, DENSE), jnp.float32)] * RING
            + [pltpu.SemaphoreType.DMA] * (2 * RING)
        ),
        compiler_params=pltpu.CompilerParams(use_tc_tiling_on_sc=False),
    )
    x = gather(fold, idx2d)
    return x.reshape(B, L, DENSE)

# --- scband reference (transcript-rebuilt; emitter-appended) ---
"""Pipeline reference for scband-word-model-5059471475074 (READ-ONLY COPY).

The authoritative reference and input builder live on the scoring server;
editing this copy changes nothing except your own understanding.
"""

import jax, jax.numpy as jnp
import numpy as np

VOCAB = 1000000
DIM = 64
DENSE = 128
B = 4096
L = 200

def setup_inputs(seed: int = 0) -> dict:
    key = jax.random.key(seed)
    k1, k2, k3 = jax.random.split(key, 3)
    indices = jax.random.randint(k1, (B, L), 0, VOCAB)
    table = jax.random.normal(k2, (VOCAB, DIM), dtype=jnp.float32) * 0.02
    W = jax.random.normal(k3, (DIM, DENSE), dtype=jnp.float32) * (1.0 / np.sqrt(DIM))
    b = jnp.zeros((DENSE,), dtype=jnp.float32)
    return {"indices": indices, "table": table, "W": W, "b": b}

def reference(indices, table, W, b):
    # Embedding lookup (frozen table, mask_zero only affects downstream masking,
    # not the computed values here)
    emb = jnp.take(table, indices, axis=0)          # [B, L, DIM]
    # Dense with tanh activation
    x = jnp.tanh(jnp.dot(emb, W) + b)               # [B, L, DENSE]
    # Dropout is identity at inference
    return x

if __name__ == "__main__":
    import jax
    _d = setup_inputs()
    print(jax.jit(kernel)(*tuple(_d.values())))

</pallas_src>

<mosaic_0001>
#map = affine_map<(d0, d1) -> (0, 0)>
module attributes {stable_mosaic.version = 14 : i64} {
  func.func @_sc_gather_body(%arg0: i32, %arg1: i32, %arg2: memref<1000000x128xf32, #tpu.memory_space<hbm>>, %arg3: memref<6400x128xi32, #tpu.memory_space<hbm>>, %arg4: memref<819200x128xf32, #tpu.memory_space<hbm>>, %arg5: memref<200x128xi32, #tpu.memory_space<vmem>>, %arg6: memref<128x128xf32, #tpu.memory_space<vmem>>, %arg7: memref<128x128xf32, #tpu.memory_space<vmem>>, %arg8: memref<128x128xf32, #tpu.memory_space<vmem>>, %arg9: memref<128x128xf32, #tpu.memory_space<vmem>>, %arg10: memref<128x128xf32, #tpu.memory_space<vmem>>, %arg11: memref<!tpu.dma_semaphore, #tpu.memory_space<semaphore_mem>>, %arg12: memref<!tpu.dma_semaphore, #tpu.memory_space<semaphore_mem>>, %arg13: memref<!tpu.dma_semaphore, #tpu.memory_space<semaphore_mem>>, %arg14: memref<!tpu.dma_semaphore, #tpu.memory_space<semaphore_mem>>, %arg15: memref<!tpu.dma_semaphore, #tpu.memory_space<semaphore_mem>>, %arg16: memref<!tpu.dma_semaphore, #tpu.memory_space<semaphore_mem>>, %arg17: memref<!tpu.dma_semaphore, #tpu.memory_space<semaphore_mem>>, %arg18: memref<!tpu.dma_semaphore, #tpu.memory_space<semaphore_mem>>, %arg19: memref<!tpu.dma_semaphore, #tpu.memory_space<semaphore_mem>>, %arg20: memref<!tpu.dma_semaphore, #tpu.memory_space<semaphore_mem>>) attributes {dimension_semantics = [#tpu.dimension_semantics<core_parallel>, #tpu.dimension_semantics<subcore_parallel>], iteration_bounds = array<i64: 2, 16>, scalar_prefetch = 0 : i64, scratch_operands = 16 : i64, tpu.core_type = #tpu.core_type<sc_vector_subcore>, window_params = [{transform_indices = #map}, {transform_indices = #map}, {transform_indices = #map}]} {
    %mul3A = arith.constant 2 : i32
    %mul3A_0 = arith.muli %arg1, %mul3A : i32
    %add3A = arith.addi %mul3A_0, %arg0 : i32
    %mul3A_1 = arith.constant 200 : i32
    %mul3A_2 = arith.muli %add3A, %mul3A_1 : i32
    "tpu.region"() ({
      %run_scoped3A = tpu.sem_alloc : memref<!tpu.dma_semaphore, #tpu.memory_space<semaphore_mem>>
      %dma_start3A_43 = arith.constant 0 : i32
      %dma_start3A_44 = tpu.memref_slice %arg3[%mul3A_2, %dma_start3A_43] : memref<6400x128xi32, #tpu.memory_space<hbm>> -> memref<200x128xi32, #tpu.memory_space<hbm>>
      %dma_start3A_45 = arith.constant 0 : i32
      %dma_start3A_46 = tpu.memref_slice %arg3[%mul3A_2, %dma_start3A_45] : memref<6400x128xi32, #tpu.memory_space<hbm>> -> memref<200x128xi32, #tpu.memory_space<hbm>>
      tpu.enqueue_dma source(%dma_start3A_46 : memref<200x128xi32, #tpu.memory_space<hbm>>) target(%arg5 : memref<200x128xi32, #tpu.memory_space<vmem>>) target_semaphore(%run_scoped3A : memref<!tpu.dma_semaphore, #tpu.memory_space<semaphore_mem>>)
      %dma_wait3A_47 = arith.constant 0 : i32
      %dma_wait3A_48 = tpu.memref_slice %arg3[%mul3A_2, %dma_wait3A_47] : memref<6400x128xi32, #tpu.memory_space<hbm>> -> memref<200x128xi32, #tpu.memory_space<hbm>>
      %dma_wait3A_49 = arith.constant 0 : i32
      %dma_wait3A_50 = tpu.memref_slice %arg3[%mul3A_2, %dma_wait3A_49] : memref<6400x128xi32, #tpu.memory_space<hbm>> -> memref<200x128xi32, #tpu.memory_space<hbm>>
      tpu.wait_dma2 semaphore(%run_scoped3A : memref<!tpu.dma_semaphore, #tpu.memory_space<semaphore_mem>>) src(%dma_wait3A_50 : memref<200x128xi32, #tpu.memory_space<hbm>>) dst(%arg5 : memref<200x128xi32, #tpu.memory_space<vmem>>)
      tpu.yield
    }) : () -> ()
    %dma_start3A = arith.constant 0 : i32
    %dma_start3A_3 = arith.constant 0 : i32
    %dma_start3A_4 = tpu.memref_slice %arg5[%dma_start3A, %dma_start3A_3] : memref<200x128xi32, #tpu.memory_space<vmem>> -> memref<1x128xi32, #tpu.memory_space<vmem>>
    %dma_start3A_5 = tpu.memref_squeeze %dma_start3A_4 : memref<1x128xi32, #tpu.memory_space<vmem>> -> memref<128xi32, #tpu.memory_space<vmem>>
    %dma_start3A_6 = arith.constant 0 : i32
    %dma_start3A_7 = arith.constant 0 : i32
    %dma_start3A_8 = tpu.memref_slice %arg2[%dma_start3A_6, %dma_start3A_7] : memref<1000000x128xf32, #tpu.memory_space<hbm>> -> memref<1000000x128xf32, #tpu.memory_space<hbm>>
    tpu.enqueue_indirect_dma source(%dma_start3A_8 : memref<1000000x128xf32, #tpu.memory_space<hbm>>) target(%arg6 : memref<128x128xf32, #tpu.memory_space<vmem>>) offsets(%dma_start3A_5 : memref<128xi32, #tpu.memory_space<vmem>>) semaphore(%arg11 : memref<!tpu.dma_semaphore, #tpu.memory_space<semaphore_mem>>)
    %dma_start3A_9 = arith.constant 1 : i32
    %dma_start3A_10 = arith.constant 0 : i32
    %dma_start3A_11 = tpu.memref_slice %arg5[%dma_start3A_9, %dma_start3A_10] : memref<200x128xi32, #tpu.memory_space<vmem>> -> memref<1x128xi32, #tpu.memory_space<vmem>>
    %dma_start3A_12 = tpu.memref_squeeze %dma_start3A_11 : memref<1x128xi32, #tpu.memory_space<vmem>> -> memref<128xi32, #tpu.memory_space<vmem>>
    %dma_start3A_13 = arith.constant 0 : i32
    %dma_start3A_14 = arith.constant 0 : i32
    %dma_start3A_15 = tpu.memref_slice %arg2[%dma_start3A_13, %dma_start3A_14] : memref<1000000x128xf32, #tpu.memory_space<hbm>> -> memref<1000000x128xf32, #tpu.memory_space<hbm>>
    tpu.enqueue_indirect_dma source(%dma_start3A_15 : memref<1000000x128xf32, #tpu.memory_space<hbm>>) target(%arg7 : memref<128x128xf32, #tpu.memory_space<vmem>>) offsets(%dma_start3A_12 : memref<128xi32, #tpu.memory_space<vmem>>) semaphore(%arg12 : memref<!tpu.dma_semaphore, #tpu.memory_space<semaphore_mem>>)
    %dma_start3A_16 = arith.constant 2 : i32
    %dma_start3A_17 = arith.constant 0 : i32
    %dma_start3A_18 = tpu.memref_slice %arg5[%dma_start3A_16, %dma_start3A_17] : memref<200x128xi32, #tpu.memory_space<vmem>> -> memref<1x128xi32, #tpu.memory_space<vmem>>
    %dma_start3A_19 = tpu.memref_squeeze %dma_start3A_18 : memref<1x128xi32, #tpu.memory_space<vmem>> -> memref<128xi32, #tpu.memory_space<vmem>>
    %dma_start3A_20 = arith.constant 0 : i32
    %dma_start3A_21 = arith.constant 0 : i32
    %dma_start3A_22 = tpu.memref_slice %arg2[%dma_start3A_20, %dma_start3A_21] : memref<1000000x128xf32, #tpu.memory_space<hbm>> -> memref<1000000x128xf32, #tpu.memory_space<hbm>>
    tpu.enqueue_indirect_dma source(%dma_start3A_22 : memref<1000000x128xf32, #tpu.memory_space<hbm>>) target(%arg8 : memref<128x128xf32, #tpu.memory_space<vmem>>) offsets(%dma_start3A_19 : memref<128xi32, #tpu.memory_space<vmem>>) semaphore(%arg13 : memref<!tpu.dma_semaphore, #tpu.memory_space<semaphore_mem>>)
    %scan3A = arith.constant 0 : i32
    %scan3A_23 = arith.constant 0 : i32
    %scan3A_24 = arith.constant 40 : i32
    %scan3A_25 = arith.addi %scan3A_23, %scan3A_24 : i32
    %scan3A_26 = arith.constant 1 : i32
    scf.for %scan3A_43 = %scan3A_23 to %scan3A_25 step %scan3A_26  : i32 {
      %mul3A_44 = arith.constant 5 : i32
      %mul3A_45 = arith.muli %scan3A_43, %mul3A_44 : i32
      %add3A_46 = arith.constant 0 : i32
      %add3A_47 = arith.addi %mul3A_45, %add3A_46 : i32
      %add3A_48 = arith.constant 3 : i32
      %add3A_49 = arith.addi %add3A_47, %add3A_48 : i32
      %sub3A = arith.constant 5 : i32
      %sub3A_50 = arith.subi %add3A_49, %sub3A : i32
      %ge3A = arith.constant 0 : i32
      %ge3A_51 = arith.cmpi sge, %sub3A_50, %ge3A : i32
      %convert_element_type3A = arith.extui %ge3A_51 : i1 to i32
      %cond3A = arith.constant 0 : i32
      %cond3A_52 = arith.cmpi ne, %convert_element_type3A, %cond3A : i32
      scf.if %cond3A_52 {
        %add3A_204 = arith.constant 3 : i32
        %add3A_205 = arith.addi %add3A_47, %add3A_204 : i32
        %sub3A_206 = arith.constant 5 : i32
        %sub3A_207 = arith.subi %add3A_205, %sub3A_206 : i32
        %add3A_208 = arith.addi %mul3A_2, %sub3A_207 : i32
        %mul3A_209 = arith.constant 128 : i32
        %mul3A_210 = arith.muli %add3A_208, %mul3A_209 : i32
        %dma_wait3A_211 = arith.constant 0 : i32
        %dma_wait3A_212 = tpu.memref_slice %arg4[%mul3A_210, %dma_wait3A_211] : memref<819200x128xf32, #tpu.memory_space<hbm>> -> memref<128x128xf32, #tpu.memory_space<hbm>>
        %dma_wait3A_213 = arith.constant 0 : i32
        %dma_wait3A_214 = tpu.memref_slice %arg4[%mul3A_210, %dma_wait3A_213] : memref<819200x128xf32, #tpu.memory_space<hbm>> -> memref<128x128xf32, #tpu.memory_space<hbm>>
        tpu.wait_dma2 semaphore(%arg19 : memref<!tpu.dma_semaphore, #tpu.memory_space<semaphore_mem>>) src(%arg9 : memref<128x128xf32, #tpu.memory_space<vmem>>) dst(%dma_wait3A_214 : memref<128x128xf32, #tpu.memory_space<hbm>>)
      } else {
      }
      %add3A_53 = arith.constant 3 : i32
      %add3A_54 = arith.addi %add3A_47, %add3A_53 : i32
      %lt3A = arith.constant 200 : i32
      %lt3A_55 = arith.cmpi slt, %add3A_54, %lt3A : i32
      %convert_element_type3A_56 = arith.extui %lt3A_55 : i1 to i32
      %cond3A_57 = arith.constant 0 : i32
      %cond3A_58 = arith.cmpi ne, %convert_element_type3A_56, %cond3A_57 : i32
      scf.if %cond3A_58 {
        %add3A_204 = arith.constant 3 : i32
        %add3A_205 = arith.addi %add3A_47, %add3A_204 : i32
        %dma_start3A_206 = arith.constant 0 : i32
        %dma_start3A_207 = tpu.memref_slice %arg5[%add3A_205, %dma_start3A_206] : memref<200x128xi32, #tpu.memory_space<vmem>> -> memref<1x128xi32, #tpu.memory_space<vmem>>
        %dma_start3A_208 = tpu.memref_squeeze %dma_start3A_207 : memref<1x128xi32, #tpu.memory_space<vmem>> -> memref<128xi32, #tpu.memory_space<vmem>>
        %dma_start3A_209 = arith.constant 0 : i32
        %dma_start3A_210 = arith.constant 0 : i32
        %dma_start3A_211 = tpu.memref_slice %arg2[%dma_start3A_209, %dma_start3A_210] : memref<1000000x128xf32, #tpu.memory_space<hbm>> -> memref<1000000x128xf32, #tpu.memory_space<hbm>>
        tpu.enqueue_indirect_dma source(%dma_start3A_211 : memref<1000000x128xf32, #tpu.memory_space<hbm>>) target(%arg9 : memref<128x128xf32, #tpu.memory_space<vmem>>) offsets(%dma_start3A_208 : memref<128xi32, #tpu.memory_space<vmem>>) semaphore(%arg14 : memref<!tpu.dma_semaphore, #tpu.memory_space<semaphore_mem>>)
      } else {
      }
      %dma_wait3A_59 = arith.constant 0 : i32
      %dma_wait3A_60 = tpu.memref_slice %arg5[%add3A_47, %dma_wait3A_59] : memref<200x128xi32, #tpu.memory_space<vmem>> -> memref<1x128xi32, #tpu.memory_space<vmem>>
      %dma_wait3A_61 = tpu.memref_squeeze %dma_wait3A_60 : memref<1x128xi32, #tpu.memory_space<vmem>> -> memref<128xi32, #tpu.memory_space<vmem>>
      %dma_wait3A_62 = arith.constant 0 : i32
      %dma_wait3A_63 = arith.constant 0 : i32
      %dma_wait3A_64 = tpu.memref_slice %arg2[%dma_wait3A_62, %dma_wait3A_63] : memref<1000000x128xf32, #tpu.memory_space<hbm>> -> memref<1000000x128xf32, #tpu.memory_space<hbm>>
      tpu.wait_indirect_dma semaphore(%arg11 : memref<!tpu.dma_semaphore, #tpu.memory_space<semaphore_mem>>) src(%dma_wait3A_64 : memref<1000000x128xf32, #tpu.memory_space<hbm>>) dst(%arg6 : memref<128x128xf32, #tpu.memory_space<vmem>>)
      %add3A_65 = arith.addi %mul3A_2, %add3A_47 : i32
      %mul3A_66 = arith.constant 128 : i32
      %mul3A_67 = arith.muli %add3A_65, %mul3A_66 : i32
      %dma_start3A_68 = arith.constant 0 : i32
      %dma_start3A_69 = tpu.memref_slice %arg4[%mul3A_67, %dma_start3A_68] : memref<819200x128xf32, #tpu.memory_space<hbm>> -> memref<128x128xf32, #tpu.memory_space<hbm>>
      %dma_start3A_70 = arith.constant 0 : i32
      %dma_start3A_71 = tpu.memref_slice %arg4[%mul3A_67, %dma_start3A_70] : memref<819200x128xf32, #tpu.memory_space<hbm>> -> memref<128x128xf32, #tpu.memory_space<hbm>>
      tpu.enqueue_dma source(%arg6 : memref<128x128xf32, #tpu.memory_space<vmem>>) target(%dma_start3A_71 : memref<128x128xf32, #tpu.memory_space<hbm>>) target_semaphore(%arg16 : memref<!tpu.dma_semaphore, #tpu.memory_space<semaphore_mem>>)
      %mul3A_72 = arith.constant 5 : i32
      %mul3A_73 = arith.muli %scan3A_43, %mul3A_72 : i32
      %add3A_74 = arith.constant 1 : i32
      %add3A_75 = arith.addi %mul3A_73, %add3A_74 : i32
      %add3A_76 = arith.constant 3 : i32
      %add3A_77 = arith.addi %add3A_75, %add3A_76 : i32
      %sub3A_78 = arith.constant 5 : i32
      %sub3A_79 = arith.subi %add3A_77, %sub3A_78 : i32
      %ge3A_80 = arith.constant 0 : i32
      %ge3A_81 = arith.cmpi sge, %sub3A_79, %ge3A_80 : i32
      %convert_element_type3A_82 = arith.extui %ge3A_81 : i1 to i32
      %cond3A_83 = arith.constant 0 : i32
      %cond3A_84 = arith.cmpi ne, %convert_element_type3A_82, %cond3A_83 : i32
      scf.if %cond3A_84 {
        %add3A_204 = arith.constant 3 : i32
        %add3A_205 = arith.addi %add3A_75, %add3A_204 : i32
        %sub3A_206 = arith.constant 5 : i32
        %sub3A_207 = arith.subi %add3A_205, %sub3A_206 : i32
        %add3A_208 = arith.addi %mul3A_2, %sub3A_207 : i32
        %mul3A_209 = arith.constant 128 : i32
        %mul3A_210 = arith.muli %add3A_208, %mul3A_209 : i32
        %dma_wait3A_211 = arith.constant 0 : i32
        %dma_wait3A_212 = tpu.memref_slice %arg4[%mul3A_210, %dma_wait3A_211] : memref<819200x128xf32, #tpu.memory_space<hbm>> -> memref<128x128xf32, #tpu.memory_space<hbm>>
        %dma_wait3A_213 = arith.constant 0 : i32
        %dma_wait3A_214 = tpu.memref_slice %arg4[%mul3A_210, %dma_wait3A_213] : memref<819200x128xf32, #tpu.memory_space<hbm>> -> memref<128x128xf32, #tpu.memory_space<hbm>>
        tpu.wait_dma2 semaphore(%arg20 : memref<!tpu.dma_semaphore, #tpu.memory_space<semaphore_mem>>) src(%arg10 : memref<128x128xf32, #tpu.memory_space<vmem>>) dst(%dma_wait3A_214 : memref<128x128xf32, #tpu.memory_space<hbm>>)
      } else {
      }
      %add3A_85 = arith.constant 3 : i32
      %add3A_86 = arith.addi %add3A_75, %add3A_85 : i32
      %lt3A_87 = arith.constant 200 : i32
      %lt3A_88 = arith.cmpi slt, %add3A_86, %lt3A_87 : i32
      %convert_element_type3A_89 = arith.extui %lt3A_88 : i1 to i32
      %cond3A_90 = arith.constant 0 : i32
      %cond3A_91 = arith.cmpi ne, %convert_element_type3A_89, %cond3A_90 : i32
      scf.if %cond3A_91 {
        %add3A_204 = arith.constant 3 : i32
        %add3A_205 = arith.addi %add3A_75, %add3A_204 : i32
        %dma_start3A_206 = arith.constant 0 : i32
        %dma_start3A_207 = tpu.memref_slice %arg5[%add3A_205, %dma_start3A_206] : memref<200x128xi32, #tpu.memory_space<vmem>> -> memref<1x128xi32, #tpu.memory_space<vmem>>
        %dma_start3A_208 = tpu.memref_squeeze %dma_start3A_207 : memref<1x128xi32, #tpu.memory_space<vmem>> -> memref<128xi32, #tpu.memory_space<vmem>>
        %dma_start3A_209 = arith.constant 0 : i32
        %dma_start3A_210 = arith.constant 0 : i32
        %dma_start3A_211 = tpu.memref_slice %arg2[%dma_start3A_209, %dma_start3A_210] : memref<1000000x128xf32, #tpu.memory_space<hbm>> -> memref<1000000x128xf32, #tpu.memory_space<hbm>>
        tpu.enqueue_indirect_dma source(%dma_start3A_211 : memref<1000000x128xf32, #tpu.memory_space<hbm>>) target(%arg10 : memref<128x128xf32, #tpu.memory_space<vmem>>) offsets(%dma_start3A_208 : memref<128xi32, #tpu.memory_space<vmem>>) semaphore(%arg15 : memref<!tpu.dma_semaphore, #tpu.memory_space<semaphore_mem>>)
      } else {
      }
      %dma_wait3A_92 = arith.constant 0 : i32
      %dma_wait3A_93 = tpu.memref_slice %arg5[%add3A_75, %dma_wait3A_92] : memref<200x128xi32, #tpu.memory_space<vmem>> -> memref<1x128xi32, #tpu.memory_space<vmem>>
      %dma_wait3A_94 = tpu.memref_squeeze %dma_wait3A_93 : memref<1x128xi32, #tpu.memory_space<vmem>> -> memref<128xi32, #tpu.memory_space<vmem>>
      %dma_wait3A_95 = arith.constant 0 : i32
      %dma_wait3A_96 = arith.constant 0 : i32
      %dma_wait3A_97 = tpu.memref_slice %arg2[%dma_wait3A_95, %dma_wait3A_96] : memref<1000000x128xf32, #tpu.memory_space<hbm>> -> memref<1000000x128xf32, #tpu.memory_space<hbm>>
      tpu.wait_indirect_dma semaphore(%arg12 : memref<!tpu.dma_semaphore, #tpu.memory_space<semaphore_mem>>) src(%dma_wait3A_97 : memref<1000000x128xf32, #tpu.memory_space<hbm>>) dst(%arg7 : memref<128x128xf32, #tpu.memory_space<vmem>>)
      %add3A_98 = arith.addi %mul3A_2, %add3A_75 : i32
      %mul3A_99 = arith.constant 128 : i32
      %mul3A_100 = arith.muli %add3A_98, %mul3A_99 : i32
      %dma_start3A_101 = arith.constant 0 : i32
      %dma_start3A_102 = tpu.memref_slice %arg4[%mul3A_100, %dma_start3A_101] : memref<819200x128xf32, #tpu.memory_space<hbm>> -> memref<128x128xf32, #tpu.memory_space<hbm>>
      %dma_start3A_103 = arith.constant 0 : i32
      %dma_start3A_104 = tpu.memref_slice %arg4[%mul3A_100, %dma_start3A_103] : memref<819200x128xf32, #tpu.memory_space<hbm>> -> memref<128x128xf32, #tpu.memory_space<hbm>>
      tpu.enqueue_dma source(%arg7 : memref<128x128xf32, #tpu.memory_space<vmem>>) target(%dma_start3A_104 : memref<128x128xf32, #tpu.memory_space<hbm>>) target_semaphore(%arg17 : memref<!tpu.dma_semaphore, #tpu.memory_space<semaphore_mem>>)
      %mul3A_105 = arith.constant 5 : i32
      %mul3A_106 = arith.muli %scan3A_43, %mul3A_105 : i32
      %add3A_107 = arith.constant 2 : i32
      %add3A_108 = arith.addi %mul3A_106, %add3A_107 : i32
      %add3A_109 = arith.constant 3 : i32
      %add3A_110 = arith.addi %add3A_108, %add3A_109 : i32
      %sub3A_111 = arith.constant 5 : i32
      %sub3A_112 = arith.subi %add3A_110, %sub3A_111 : i32
      %ge3A_113 = arith.constant 0 : i32
      %ge3A_114 = arith.cmpi sge, %sub3A_112, %ge3A_113 : i32
      %convert_element_type3A_115 = arith.extui %ge3A_114 : i1 to i32
      %cond3A_116 = arith.constant 0 : i32
      %cond3A_117 = arith.cmpi ne, %convert_element_type3A_115, %cond3A_116 : i32
      scf.if %cond3A_117 {
        %add3A_204 = arith.constant 3 : i32
        %add3A_205 = arith.addi %add3A_108, %add3A_204 : i32
        %sub3A_206 = arith.constant 5 : i32
        %sub3A_207 = arith.subi %add3A_205, %sub3A_206 : i32
        %add3A_208 = arith.addi %mul3A_2, %sub3A_207 : i32
        %mul3A_209 = arith.constant 128 : i32
        %mul3A_210 = arith.muli %add3A_208, %mul3A_209 : i32
        %dma_wait3A_211 = arith.constant 0 : i32
        %dma_wait3A_212 = tpu.memref_slice %arg4[%mul3A_210, %dma_wait3A_211] : memref<819200x128xf32, #tpu.memory_space<hbm>> -> memref<128x128xf32, #tpu.memory_space<hbm>>
        %dma_wait3A_213 = arith.constant 0 : i32
        %dma_wait3A_214 = tpu.memref_slice %arg4[%mul3A_210, %dma_wait3A_213] : memref<819200x128xf32, #tpu.memory_space<hbm>> -> memref<128x128xf32, #tpu.memory_space<hbm>>
        tpu.wait_dma2 semaphore(%arg16 : memref<!tpu.dma_semaphore, #tpu.memory_space<semaphore_mem>>) src(%arg6 : memref<128x128xf32, #tpu.memory_space<vmem>>) dst(%dma_wait3A_214 : memref<128x128xf32, #tpu.memory_space<hbm>>)
      } else {
      }
      %add3A_118 = arith.constant 3 : i32
      %add3A_119 = arith.addi %add3A_108, %add3A_118 : i32
      %lt3A_120 = arith.constant 200 : i32
      %lt3A_121 = arith.cmpi slt, %add3A_119, %lt3A_120 : i32
      %convert_element_type3A_122 = arith.extui %lt3A_121 : i1 to i32
      %cond3A_123 = arith.constant 0 : i32
      %cond3A_124 = arith.cmpi ne, %convert_element_type3A_122, %cond3A_123 : i32
      scf.if %cond3A_124 {
        %add3A_204 = arith.constant 3 : i32
        %add3A_205 = arith.addi %add3A_108, %add3A_204 : i32
        %dma_start3A_206 = arith.constant 0 : i32
        %dma_start3A_207 = tpu.memref_slice %arg5[%add3A_205, %dma_start3A_206] : memref<200x128xi32, #tpu.memory_space<vmem>> -> memref<1x128xi32, #tpu.memory_space<vmem>>
        %dma_start3A_208 = tpu.memref_squeeze %dma_start3A_207 : memref<1x128xi32, #tpu.memory_space<vmem>> -> memref<128xi32, #tpu.memory_space<vmem>>
        %dma_start3A_209 = arith.constant 0 : i32
        %dma_start3A_210 = arith.constant 0 : i32
        %dma_start3A_211 = tpu.memref_slice %arg2[%dma_start3A_209, %dma_start3A_210] : memref<1000000x128xf32, #tpu.memory_space<hbm>> -> memref<1000000x128xf32, #tpu.memory_space<hbm>>
        tpu.enqueue_indirect_dma source(%dma_start3A_211 : memref<1000000x128xf32, #tpu.memory_space<hbm>>) target(%arg6 : memref<128x128xf32, #tpu.memory_space<vmem>>) offsets(%dma_start3A_208 : memref<128xi32, #tpu.memory_space<vmem>>) semaphore(%arg11 : memref<!tpu.dma_semaphore, #tpu.memory_space<semaphore_mem>>)
      } else {
      }
      %dma_wait3A_125 = arith.constant 0 : i32
      %dma_wait3A_126 = tpu.memref_slice %arg5[%add3A_108, %dma_wait3A_125] : memref<200x128xi32, #tpu.memory_space<vmem>> -> memref<1x128xi32, #tpu.memory_space<vmem>>
      %dma_wait3A_127 = tpu.memref_squeeze %dma_wait3A_126 : memref<1x128xi32, #tpu.memory_space<vmem>> -> memref<128xi32, #tpu.memory_space<vmem>>
      %dma_wait3A_128 = arith.constant 0 : i32
      %dma_wait3A_129 = arith.constant 0 : i32
      %dma_wait3A_130 = tpu.memref_slice %arg2[%dma_wait3A_128, %dma_wait3A_129] : memref<1000000x128xf32, #tpu.memory_space<hbm>> -> memref<1000000x128xf32, #tpu.memory_space<hbm>>
      tpu.wait_indirect_dma semaphore(%arg13 : memref<!tpu.dma_semaphore, #tpu.memory_space<semaphore_mem>>) src(%dma_wait3A_130 : memref<1000000x128xf32, #tpu.memory_space<hbm>>) dst(%arg8 : memref<128x128xf32, #tpu.memory_space<vmem>>)
      %add3A_131 = arith.addi %mul3A_2, %add3A_108 : i32
      %mul3A_132 = arith.constant 128 : i32
      %mul3A_133 = arith.muli %add3A_131, %mul3A_132 : i32
      %dma_start3A_134 = arith.constant 0 : i32
      %dma_start3A_135 = tpu.memref_slice %arg4[%mul3A_133, %dma_start3A_134] : memref<819200x128xf32, #tpu.memory_space<hbm>> -> memref<128x128xf32, #tpu.memory_space<hbm>>
      %dma_start3A_136 = arith.constant 0 : i32
      %dma_start3A_137 = tpu.memref_slice %arg4[%mul3A_133, %dma_start3A_136] : memref<819200x128xf32, #tpu.memory_space<hbm>> -> memref<128x128xf32, #tpu.memory_space<hbm>>
      tpu.enqueue_dma source(%arg8 : memref<128x128xf32, #tpu.memory_space<vmem>>) target(%dma_start3A_137 : memref<128x128xf32, #tpu.memory_space<hbm>>) target_semaphore(%arg18 : memref<!tpu.dma_semaphore, #tpu.memory_space<semaphore_mem>>)
      %mul3A_138 = arith.constant 5 : i32
      %mul3A_139 = arith.muli %scan3A_43, %mul3A_138 : i32
      %add3A_140 = arith.constant 3 : i32
      %add3A_141 = arith.addi %mul3A_139, %add3A_140 : i32
      %add3A_142 = arith.constant 3 : i32
      %add3A_143 = arith.addi %add3A_141, %add3A_142 : i32
      %sub3A_144 = arith.constant 5 : i32
      %sub3A_145 = arith.subi %add3A_143, %sub3A_144 : i32
      %ge3A_146 = arith.constant 0 : i32
      %ge3A_147 = arith.cmpi sge, %sub3A_145, %ge3A_146 : i32
      %convert_element_type3A_148 = arith.extui %ge3A_147 : i1 to i32
      %cond3A_149 = arith.constant 0 : i32
      %cond3A_150 = arith.cmpi ne, %convert_element_type3A_148, %cond3A_149 : i32
      scf.if %cond3A_150 {
        %add3A_204 = arith.constant 3 : i32
        %add3A_205 = arith.addi %add3A_141, %add3A_204 : i32
        %sub3A_206 = arith.constant 5 : i32
        %sub3A_207 = arith.subi %add3A_205, %sub3A_206 : i32
        %add3A_208 = arith.addi %mul3A_2, %sub3A_207 : i32
        %mul3A_209 = arith.constant 128 : i32
        %mul3A_210 = arith.muli %add3A_208, %mul3A_209 : i32
        %dma_wait3A_211 = arith.constant 0 : i32
        %dma_wait3A_212 = tpu.memref_slice %arg4[%mul3A_210, %dma_wait3A_211] : memref<819200x128xf32, #tpu.memory_space<hbm>> -> memref<128x128xf32, #tpu.memory_space<hbm>>
        %dma_wait3A_213 = arith.constant 0 : i32
        %dma_wait3A_214 = tpu.memref_slice %arg4[%mul3A_210, %dma_wait3A_213] : memref<819200x128xf32, #tpu.memory_space<hbm>> -> memref<128x128xf32, #tpu.memory_space<hbm>>
        tpu.wait_dma2 semaphore(%arg17 : memref<!tpu.dma_semaphore, #tpu.memory_space<semaphore_mem>>) src(%arg7 : memref<128x128xf32, #tpu.memory_space<vmem>>) dst(%dma_wait3A_214 : memref<128x128xf32, #tpu.memory_space<hbm>>)
      } else {
      }
      %add3A_151 = arith.constant 3 : i32
      %add3A_152 = arith.addi %add3A_141, %add3A_151 : i32
      %lt3A_153 = arith.constant 200 : i32
      %lt3A_154 = arith.cmpi slt, %add3A_152, %lt3A_153 : i32
      %convert_element_type3A_155 = arith.extui %lt3A_154 : i1 to i32
      %cond3A_156 = arith.constant 0 : i32
      %cond3A_157 = arith.cmpi ne, %convert_element_type3A_155, %cond3A_156 : i32
      scf.if %cond3A_157 {
        %add3A_204 = arith.constant 3 : i32
        %add3A_205 = arith.addi %add3A_141, %add3A_204 : i32
        %dma_start3A_206 = arith.constant 0 : i32
        %dma_start3A_207 = tpu.memref_slice %arg5[%add3A_205, %dma_start3A_206] : memref<200x128xi32, #tpu.memory_space<vmem>> -> memref<1x128xi32, #tpu.memory_space<vmem>>
        %dma_start3A_208 = tpu.memref_squeeze %dma_start3A_207 : memref<1x128xi32, #tpu.memory_space<vmem>> -> memref<128xi32, #tpu.memory_space<vmem>>
        %dma_start3A_209 = arith.constant 0 : i32
        %dma_start3A_210 = arith.constant 0 : i32
        %dma_start3A_211 = tpu.memref_slice %arg2[%dma_start3A_209, %dma_start3A_210] : memref<1000000x128xf32, #tpu.memory_space<hbm>> -> memref<1000000x128xf32, #tpu.memory_space<hbm>>
        tpu.enqueue_indirect_dma source(%dma_start3A_211 : memref<1000000x128xf32, #tpu.memory_space<hbm>>) target(%arg7 : memref<128x128xf32, #tpu.memory_space<vmem>>) offsets(%dma_start3A_208 : memref<128xi32, #tpu.memory_space<vmem>>) semaphore(%arg12 : memref<!tpu.dma_semaphore, #tpu.memory_space<semaphore_mem>>)
      } else {
      }
      %dma_wait3A_158 = arith.constant 0 : i32
      %dma_wait3A_159 = tpu.memref_slice %arg5[%add3A_141, %dma_wait3A_158] : memref<200x128xi32, #tpu.memory_space<vmem>> -> memref<1x128xi32, #tpu.memory_space<vmem>>
      %dma_wait3A_160 = tpu.memref_squeeze %dma_wait3A_159 : memref<1x128xi32, #tpu.memory_space<vmem>> -> memref<128xi32, #tpu.memory_space<vmem>>
      %dma_wait3A_161 = arith.constant 0 : i32
      %dma_wait3A_162 = arith.constant 0 : i32
      %dma_wait3A_163 = tpu.memref_slice %arg2[%dma_wait3A_161, %dma_wait3A_162] : memref<1000000x128xf32, #tpu.memory_space<hbm>> -> memref<1000000x128xf32, #tpu.memory_space<hbm>>
      tpu.wait_indirect_dma semaphore(%arg14 : memref<!tpu.dma_semaphore, #tpu.memory_space<semaphore_mem>>) src(%dma_wait3A_163 : memref<1000000x128xf32, #tpu.memory_space<hbm>>) dst(%arg9 : memref<128x128xf32, #tpu.memory_space<vmem>>)
      %add3A_164 = arith.addi %mul3A_2, %add3A_141 : i32
      %mul3A_165 = arith.constant 128 : i32
      %mul3A_166 = arith.muli %add3A_164, %mul3A_165 : i32
      %dma_start3A_167 = arith.constant 0 : i32
      %dma_start3A_168 = tpu.memref_slice %arg4[%mul3A_166, %dma_start3A_167] : memref<819200x128xf32, #tpu.memory_space<hbm>> -> memref<128x128xf32, #tpu.memory_space<hbm>>
      %dma_start3A_169 = arith.constant 0 : i32
      %dma_start3A_170 = tpu.memref_slice %arg4[%mul3A_166, %dma_start3A_169] : memref<819200x128xf32, #tpu.memory_space<hbm>> -> memref<128x128xf32, #tpu.memory_space<hbm>>
      tpu.enqueue_dma source(%arg9 : memref<128x128xf32, #tpu.memory_space<vmem>>) target(%dma_start3A_170 : memref<128x128xf32, #tpu.memory_space<hbm>>) target_semaphore(%arg19 : memref<!tpu.dma_semaphore, #tpu.memory_space<semaphore_mem>>)
      %mul3A_171 = arith.constant 5 : i32
      %mul3A_172 = arith.muli %scan3A_43, %mul3A_171 : i32
      %add3A_173 = arith.constant 4 : i32
      %add3A_174 = arith.addi %mul3A_172, %add3A_173 : i32
      %add3A_175 = arith.constant 3 : i32
      %add3A_176 = arith.addi %add3A_174, %add3A_175 : i32
      %sub3A_177 = arith.constant 5 : i32
      %sub3A_178 = arith.subi %add3A_176, %sub3A_177 : i32
      %ge3A_179 = arith.constant 0 : i32
      %ge3A_180 = arith.cmpi sge, %sub3A_178, %ge3A_179 : i32
      %convert_element_type3A_181 = arith.extui %ge3A_180 : i1 to i32
      %cond3A_182 = arith.constant 0 : i32
      %cond3A_183 = arith.cmpi ne, %convert_element_type3A_181, %cond3A_182 : i32
      scf.if %cond3A_183 {
        %add3A_204 = arith.constant 3 : i32
        %add3A_205 = arith.addi %add3A_174, %add3A_204 : i32
        %sub3A_206 = arith.constant 5 : i32
        %sub3A_207 = arith.subi %add3A_205, %sub3A_206 : i32
        %add3A_208 = arith.addi %mul3A_2, %sub3A_207 : i32
        %mul3A_209 = arith.constant 128 : i32
        %mul3A_210 = arith.muli %add3A_208, %mul3A_209 : i32
        %dma_wait3A_211 = arith.constant 0 : i32
        %dma_wait3A_212 = tpu.memref_slice %arg4[%mul3A_210, %dma_wait3A_211] : memref<819200x128xf32, #tpu.memory_space<hbm>> -> memref<128x128xf32, #tpu.memory_space<hbm>>
        %dma_wait3A_213 = arith.constant 0 : i32
        %dma_wait3A_214 = tpu.memref_slice %arg4[%mul3A_210, %dma_wait3A_213] : memref<819200x128xf32, #tpu.memory_space<hbm>> -> memref<128x128xf32, #tpu.memory_space<hbm>>
        tpu.wait_dma2 semaphore(%arg18 : memref<!tpu.dma_semaphore, #tpu.memory_space<semaphore_mem>>) src(%arg8 : memref<128x128xf32, #tpu.memory_space<vmem>>) dst(%dma_wait3A_214 : memref<128x128xf32, #tpu.memory_space<hbm>>)
      } else {
      }
      %add3A_184 = arith.constant 3 : i32
      %add3A_185 = arith.addi %add3A_174, %add3A_184 : i32
      %lt3A_186 = arith.constant 200 : i32
      %lt3A_187 = arith.cmpi slt, %add3A_185, %lt3A_186 : i32
      %convert_element_type3A_188 = arith.extui %lt3A_187 : i1 to i32
      %cond3A_189 = arith.constant 0 : i32
      %cond3A_190 = arith.cmpi ne, %convert_element_type3A_188, %cond3A_189 : i32
      scf.if %cond3A_190 {
        %add3A_204 = arith.constant 3 : i32
        %add3A_205 = arith.addi %add3A_174, %add3A_204 : i32
        %dma_start3A_206 = arith.constant 0 : i32
        %dma_start3A_207 = tpu.memref_slice %arg5[%add3A_205, %dma_start3A_206] : memref<200x128xi32, #tpu.memory_space<vmem>> -> memref<1x128xi32, #tpu.memory_space<vmem>>
        %dma_start3A_208 = tpu.memref_squeeze %dma_start3A_207 : memref<1x128xi32, #tpu.memory_space<vmem>> -> memref<128xi32, #tpu.memory_space<vmem>>
        %dma_start3A_209 = arith.constant 0 : i32
        %dma_start3A_210 = arith.constant 0 : i32
        %dma_start3A_211 = tpu.memref_slice %arg2[%dma_start3A_209, %dma_start3A_210] : memref<1000000x128xf32, #tpu.memory_space<hbm>> -> memref<1000000x128xf32, #tpu.memory_space<hbm>>
        tpu.enqueue_indirect_dma source(%dma_start3A_211 : memref<1000000x128xf32, #tpu.memory_space<hbm>>) target(%arg8 : memref<128x128xf32, #tpu.memory_space<vmem>>) offsets(%dma_start3A_208 : memref<128xi32, #tpu.memory_space<vmem>>) semaphore(%arg13 : memref<!tpu.dma_semaphore, #tpu.memory_space<semaphore_mem>>)
      } else {
      }
      %dma_wait3A_191 = arith.constant 0 : i32
      %dma_wait3A_192 = tpu.memref_slice %arg5[%add3A_174, %dma_wait3A_191] : memref<200x128xi32, #tpu.memory_space<vmem>> -> memref<1x128xi32, #tpu.memory_space<vmem>>
      %dma_wait3A_193 = tpu.memref_squeeze %dma_wait3A_192 : memref<1x128xi32, #tpu.memory_space<vmem>> -> memref<128xi32, #tpu.memory_space<vmem>>
      %dma_wait3A_194 = arith.constant 0 : i32
      %dma_wait3A_195 = arith.constant 0 : i32
      %dma_wait3A_196 = tpu.memref_slice %arg2[%dma_wait3A_194, %dma_wait3A_195] : memref<1000000x128xf32, #tpu.memory_space<hbm>> -> memref<1000000x128xf32, #tpu.memory_space<hbm>>
      tpu.wait_indirect_dma semaphore(%arg15 : memref<!tpu.dma_semaphore, #tpu.memory_space<semaphore_mem>>) src(%dma_wait3A_196 : memref<1000000x128xf32, #tpu.memory_space<hbm>>) dst(%arg10 : memref<128x128xf32, #tpu.memory_space<vmem>>)
      %add3A_197 = arith.addi %mul3A_2, %add3A_174 : i32
      %mul3A_198 = arith.constant 128 : i32
      %mul3A_199 = arith.muli %add3A_197, %mul3A_198 : i32
      %dma_start3A_200 = arith.constant 0 : i32
      %dma_start3A_201 = tpu.memref_slice %arg4[%mul3A_199, %dma_start3A_200] : memref<819200x128xf32, #tpu.memory_space<hbm>> -> memref<128x128xf32, #tpu.memory_space<hbm>>
      %dma_start3A_202 = arith.constant 0 : i32
      %dma_start3A_203 = tpu.memref_slice %arg4[%mul3A_199, %dma_start3A_202] : memref<819200x128xf32, #tpu.memory_space<hbm>> -> memref<128x128xf32, #tpu.memory_space<hbm>>
      tpu.enqueue_dma source(%arg10 : memref<128x128xf32, #tpu.memory_space<vmem>>) target(%dma_start3A_203 : memref<128x128xf32, #tpu.memory_space<hbm>>) target_semaphore(%arg20 : memref<!tpu.dma_semaphore, #tpu.memory_space<semaphore_mem>>)
    }
    %scan3A_27 = arith.constant 40 : i32
    %add3A_28 = arith.constant 198 : i32
    %add3A_29 = arith.addi %mul3A_2, %add3A_28 : i32
    %mul3A_30 = arith.constant 128 : i32
    %mul3A_31 = arith.muli %add3A_29, %mul3A_30 : i32
    %dma_wait3A = arith.constant 0 : i32
    %dma_wait3A_32 = tpu.memref_slice %arg4[%mul3A_31, %dma_wait3A] : memref<819200x128xf32, #tpu.memory_space<hbm>> -> memref<128x128xf32, #tpu.memory_space<hbm>>
    %dma_wait3A_33 = arith.constant 0 : i32
    %dma_wait3A_34 = tpu.memref_slice %arg4[%mul3A_31, %dma_wait3A_33] : memref<819200x128xf32, #tpu.memory_space<hbm>> -> memref<128x128xf32, #tpu.memory_space<hbm>>
    tpu.wait_dma2 semaphore(%arg19 : memref<!tpu.dma_semaphore, #tpu.memory_space<semaphore_mem>>) src(%arg9 : memref<128x128xf32, #tpu.memory_space<vmem>>) dst(%dma_wait3A_34 : memref<128x128xf32, #tpu.memory_space<hbm>>)
    %add3A_35 = arith.constant 199 : i32
    %add3A_36 = arith.addi %mul3A_2, %add3A_35 : i32
    %mul3A_37 = arith.constant 128 : i32
    %mul3A_38 = arith.muli %add3A_36, %mul3A_37 : i32
    %dma_wait3A_39 = arith.constant 0 : i32
    %dma_wait3A_40 = tpu.memref_slice %arg4[%mul3A_38, %dma_wait3A_39] : memref<819200x128xf32, #tpu.memory_space<hbm>> -> memref<128x128xf32, #tpu.memory_space<hbm>>
    %dma_wait3A_41 = arith.constant 0 : i32
    %dma_wait3A_42 = tpu.memref_slice %arg4[%mul3A_38, %dma_wait3A_41] : memref<819200x128xf32, #tpu.memory_space<hbm>> -> memref<128x128xf32, #tpu.memory_space<hbm>>
    tpu.wait_dma2 semaphore(%arg20 : memref<!tpu.dma_semaphore, #tpu.memory_space<semaphore_mem>>) src(%arg10 : memref<128x128xf32, #tpu.memory_space<vmem>>) dst(%dma_wait3A_42 : memref<128x128xf32, #tpu.memory_space<hbm>>)
    return
  }
}

module attributes {stable_mosaic.version = 14 : i64} {
  func.func @_tc_fold_body(%arg0: i32, %arg1: memref<64x16384xf32, #tpu.memory_space<vmem>>, %arg2: memref<64x128xf32, #tpu.memory_space<vmem>>, %arg3: memref<1x128xf32, #tpu.memory_space<vmem>>, %arg4: memref<16384x128xf32, #tpu.memory_space<vmem>>) attributes {dimension_semantics = [#tpu.dimension_semantics<arbitrary>], iteration_bounds = array<i64: 62>, scalar_prefetch = 0 : i64, scratch_operands = 0 : i64, tpu.core_type = #tpu.core_type<tc>, window_params = [{transform_indices = @transform_0, window_bounds = array<i64: 64, 16384>}, {pipeline_mode = #tpu.pipeline_mode<synchronous>, transform_indices = @transform_1, window_bounds = array<i64: 64, 128>}, {pipeline_mode = #tpu.pipeline_mode<synchronous>, transform_indices = @transform_2, window_bounds = array<i64: 1, 128>}, {transform_indices = @transform_3, window_bounds = array<i64: 16384, 128>}]} {
    %get3A = arith.constant 0 : index
    %get3A_0 = arith.constant 0 : index
    %get3A_1 = vector.load %arg1[%get3A, %get3A_0] : memref<64x16384xf32, #tpu.memory_space<vmem>>, vector<64x16384xf32>
    %get3A_2 = arith.constant 0 : index
    %get3A_3 = arith.constant 0 : index
    %get3A_4 = vector.load %arg2[%get3A_2, %get3A_3] : memref<64x128xf32, #tpu.memory_space<vmem>>, vector<64x128xf32>
    %dot_general3A = arith.constant dense<0.000000e+00> : vector<16384x128xf32>
    %dot_general3A_5 = tpu.matmul %get3A_1, %get3A_4, %dot_general3A {dimension_numbers = #tpu.dot_dimension_numbers<[0], [0], [1], [1], [0, 1, 1, 1], [], []>, transpose_lhs_hint = false} : vector<64x16384xf32>, vector<64x128xf32>, vector<16384x128xf32> -> vector<16384x128xf32>
    %get3A_6 = arith.constant 0 : index
    %get3A_7 = arith.constant 0 : index
    %get3A_8 = vector.load %arg3[%get3A_6, %get3A_7] : memref<1x128xf32, #tpu.memory_space<vmem>>, vector<1x128xf32>
    %add3A = vector.broadcast %get3A_8 : vector<1x128xf32> to vector<16384x128xf32>
    %add3A_9 = arith.addf %dot_general3A_5, %add3A : vector<16384x128xf32>
    %tanh3A = math.tanh %add3A_9 : vector<16384x128xf32>
    %swap3A = arith.constant 0 : index
    %swap3A_10 = arith.constant 0 : index
    %swap3A_11 = vector.load %arg4[%swap3A, %swap3A_10] : memref<16384x128xf32, #tpu.memory_space<vmem>>, vector<16384x128xf32>
    tpu.vector_store %arg4[%swap3A, %swap3A_10], %tanh3A {strides = array<i32>} : memref<16384x128xf32, #tpu.memory_space<vmem>>, vector<16384x128xf32>,
    return
  }
  func.func @transform_0(%arg0: i32) -> (i32, i32) {
    %c0_i32 = arith.constant 0 : i32
    %c0_i32_0 = arith.constant 0 : i32
    return %c0_i32, %arg0 : i32, i32
  }
  func.func @transform_1(%arg0: i32) -> (i32, i32) {
    %c0_i32 = arith.constant 0 : i32
    %c0_i32_0 = arith.constant 0 : i32
    %c0_i32_1 = arith.constant 0 : i32
    return %c0_i32, %c0_i32_0 : i32, i32
  }
  func.func @transform_2(%arg0: i32) -> (i32, i32) {
    %c0_i32 = arith.constant 0 : i32
    %c0_i32_0 = arith.constant 0 : i32
    %c0_i32_1 = arith.constant 0 : i32
    return %c0_i32, %c0_i32_0 : i32, i32
  }
  func.func @transform_3(%arg0: i32) -> (i32, i32) {
    %c0_i32 = arith.constant 0 : i32
    %c0_i32_0 = arith.constant 0 : i32
    return %arg0, %c0_i32 : i32, i32
  }
}

</mosaic_0001>

<sc_bundles>
// kernel: kernel.4.cloned.1.call-start
scs
__scs_entry_jumppad:
0x0: {  	(pc) =	sbr.rel $0x88, $3  }
0x1: {  	(tag) =	ssettag $0x0;
	lr =	simm.s32 $0x1  }
0x2: {  	[smem:$0x3F9D] =	sst lr;
	_ =	strace $0xD0000000  }
0x3: {  	_ = 	snop  }
0x4: {  	_ = 	snop  }
0x5: {  	_ = 	snop  }
0x6: {  	_ = 	snop  }
0x7: {  	_ = 	snop  }
__scs_overlays_trampoline_lowered:
0x8: {  	[smem:$0x3FAC] =	sst s0  }
0x9: {  	[smem:$0x3FAD] =	sst s1  }
0xa: {  	[smem:$0x3FAE] =	sst s2  }
0xb: {  	[smem:$0x3FAF] =	sst s3  }
0xc: {  	[smem:$0x3FB0] =	sst s4  }
0xd: {  	[smem:$0x3FB1] =	sst s5  }
0xe: {  	[smem:$0x3FB2] =	sst s6  }
0xf: {  	[smem:$0x3FB3] =	sst s7  }
0x10: {  	[smem:$0x3FB4] =	sst s8  }
0x11: {  	[smem:$0x3FB5] =	sst s9;
	s0 =	simm.s32 @!p0 $0x0  }
0x12: {  	s1 =	sld [smem:$0x3F9B];
	s0 =	simm.s32 @p0 $0x1  }
0x13: {  	[smem:$0x3FB6] =	sst s0;
	s0 =	simm.s32 @!p1 $0x0  }
0x14: {  	s2 =	sld [smem:$0x3F9A];
	s0 =	simm.s32 @p1 $0x1  }
0x15: {  	[smem:$0x3FB7] =	sst s0;
	s0 =	simm.s32 @!p2 $0x0  }
0x16: {  	s3 =	sld [smem:$0x3FDB];
	s0 =	simm.s32 @p2 $0x1  }
0x17: {  	s4 =	simm.s32 $0x1BF5;
	[smem:$0x3FB9] =	sst s0  }
0x18: {  	s0 =	sld [smem:$0x3F9C];
	_ =	swait.ge [sflag:s4], $0x0  }
0x19: {  	s7 =	sld [smem:$0x3F9D]  }
0x1a: {  	s8 =	sadd.s32 $0xFFFFE003, lr  }
0x1b: {  	s9 =	sadd.s32 $0xFFFFFEF7, lr;
	s5 =	simm.s32 $0xFFFFFFFF;
	p2 =	slt.u32 s8, $0xFFFFF086  }
0x1c: {  	p1 =	slt.u32 s9, $0xF7A;
	s5 =	simm.s32 @!p2 $0x0  }
0x1d: {  	s5 =	simm.s32 @p1 $0x1;
	p0 =	seq.s32 s7, s2  }
0x1e: {  	s7 =	smul.u32 @!p0 $0xF7A, s2;
	p2 =	seq.s32 @!p0 s5, $0x0  }
0x1f: {  	s9 =	smul.u32 $0xF7A, s1;
	s8 =	simm.s32 @!p0 $0x1BF5;
	p2 =	por !p2, p0  }
0x20: {  	[sflag:s8] =	ssyncset.s32 @!p0 $0xFFFFF086;
	s6 =	sadd.s32 @!p0 s3, s7;
	s7 =	simm.s32 @!p0 $0x108  }
0x21: {  	s3 =	sadd.s32 s3, s9;
	s6 =	sadd.s32 @!p0 $0x88, s6;
	s7 =	simm.s32 @p2 $0x1082  }
0x22: {  	[simem:s7], [sflag:s8] =	dma.local @!p0 [hbm:s6], $0xF7A  }
0x23: {  	s9 =	sor.u32 $0xD0000000, s2;
	s6 =	simm.s32 $0x108;
	_ =	swait.ge @!p0 [sflag:s8], $0x0  }
0x24: {  	s3 =	sadd.s32 $0x88, s3;
	s6 =	simm.s32 @!p1 $0x1082;
	[sflag:s4] =	ssyncset.s32 $0xFFFFF086  }
0x25: {  	[simem:s6], [sflag:s4] =	dma.local [hbm:s3], $0xF7A  }
0x26: {  	[smem:$0x3F9D] =	sst s1;
	(tag) =	ssettag s2;
	_ =	strace s9  }
0x27: {  	s1 =	sld [smem:$0x3FAD]  }
0x28: {  	s2 =	sld [smem:$0x3FAE]  }
0x29: {  	s4 =	sld [smem:$0x3FB0]  }
0x2a: {  	p0 =	seq.s32 s5, $0x0;
	s5 =	sld [smem:$0x3FB1]  }
0x2b: {  	s6 =	sld [smem:$0x3FB2]  }
0x2c: {  	s7 =	sld [smem:$0x3FB3]  }
0x2d: {  	s3 =	simm.s32 $0x108;
	s8 =	sld [smem:$0x3FB4]  }
0x2e: {  	s3 =	simm.s32 @!p0 $0x1082;
	s9 =	sld [smem:$0x3FB5]  }
0x2f: {  	lr =	sadd.s32 s0, s3;
	s0 =	sld [smem:$0x3FAC]  }
0x30: {  	s3 =	sld [smem:$0x3FAF]  }
0x31: {  	[smem:$0x3FB8] =	sst s10  }
0x32: {  	s10 =	sld [smem:$0x3FB6];
	_ =	sdelay $0x3  }
0x33: {  	p0 =	seq.s32 s10, $0x1;
	s10 =	sld [smem:$0x3FB8];
	_ =	sdelay $0x3  }
0x34: {  	[smem:$0x3FB8] =	sst s10  }
0x35: {  	s10 =	sld [smem:$0x3FB7];
	_ =	sdelay $0x3  }
0x36: {  	p1 =	seq.s32 s10, $0x1;
	s10 =	sld [smem:$0x3FB8];
	_ =	sdelay $0x3  }
0x37: {  	[smem:$0x3FB8] =	sst s10  }
0x38: {  	s10 =	sld [smem:$0x3FB9]  }
0x39: {  	_ = 	snop;
	(pc) =	sbr.ind lr, $3  }
0x3a: {  	_ = 	snop  }
0x3b: {  	_ = 	snop  }
0x3c: {  	p2 =	seq.s32 s10, $0x1;
	s10 =	sld [smem:$0x3FB8]  }
0x3d: {  	_ =	shalt  }
0x3e: {  	_ =	shalt  }
0x3f: {  	_ =	shalt  }
0x40: {  	_ =	shalt  }
0x41: {  	_ =	shalt  }
0x42: {  	_ =	shalt  }
0x43: {  	_ =	shalt  }
0x44: {  	_ =	shalt  }
0x45: {  	_ =	shalt  }
0x46: {  	_ =	shalt  }
0x47: {  	_ =	shalt  }
0x48: {  	_ =	shalt  }
0x49: {  	_ =	shalt  }
0x4a: {  	_ =	shalt  }
0x4b: {  	_ =	shalt  }
0x4c: {  	_ =	shalt  }
0x4d: {  	_ =	shalt  }
0x4e: {  	_ =	shalt  }
0x4f: {  	_ =	shalt  }
0x50: {  	_ =	shalt  }
0x51: {  	_ =	shalt  }
0x52: {  	_ =	shalt  }
0x53: {  	_ =	shalt  }
0x54: {  	_ =	shalt  }
0x55: {  	_ =	shalt  }
0x56: {  	_ =	shalt  }
0x57: {  	_ =	shalt  }
0x58: {  	_ =	shalt  }
0x59: {  	_ =	shalt  }
0x5a: {  	_ =	shalt  }
0x5b: {  	_ =	shalt  }
0x5c: {  	_ =	shalt  }
0x5d: {  	_ =	shalt  }
0x5e: {  	_ =	shalt  }
0x5f: {  	_ =	shalt  }
0x60: {  	_ =	shalt  }
0x61: {  	_ =	shalt  }
0x62: {  	_ =	shalt  }
0x63: {  	_ =	shalt  }
0x64: {  	_ =	shalt  }
0x65: {  	_ =	shalt  }
0x66: {  	_ =	shalt  }
0x67: {  	_ =	shalt  }
0x68: {  	_ =	shalt  }
0x69: {  	_ =	shalt  }
0x6a: {  	_ =	shalt  }
0x6b: {  	_ =	shalt  }
0x6c: {  	_ =	shalt  }
0x6d: {  	_ =	shalt  }
0x6e: {  	_ =	shalt  }
0x6f: {  	_ =	shalt  }
0x70: {  	_ =	shalt  }
0x71: {  	_ =	shalt  }
0x72: {  	_ =	shalt  }
0x73: {  	_ =	shalt  }
0x74: {  	_ =	shalt  }
0x75: {  	_ =	shalt  }
0x76: {  	_ =	shalt  }
0x77: {  	_ =	shalt  }
0x78: {  	_ =	shalt  }
0x79: {  	_ =	shalt  }
0x7a: {  	_ =	shalt  }
0x7b: {  	_ =	shalt  }
0x7c: {  	_ =	shalt  }
0x7d: {  	_ =	shalt  }
0x7e: {  	_ =	shalt  }
0x7f: {  	_ =	shalt  }
0x80: {  	_ =	shalt  }
0x81: {  	_ =	shalt  }
0x82: {  	_ =	shalt  }
0x83: {  	_ =	shalt  }
0x84: {  	_ =	shalt  }
0x85: {  	_ =	shalt  }
0x86: {  	_ =	shalt  }
0x87: {  	_ =	shalt  }
.Lfunc_end0:
.L_simem_size_0:
called_computation_lowered:
.L_overlay_start_0:
0x88: {  	s2 =	sld [smem:$0x3FD9]  }
0x89: {  	s3 =	sld [smem:$0x3FFE];
	_ =	sdelay $0x1  }
0x8a: {  	s1 =	srdreg.scid  }
0x8b: {  	s0 =	sand.u32 $0x1, s1  }
0x8c: {  	s17 =	sshll.u32 s0, $0xA;
	s2 =	sadd.s32 s3, s2  }
0x8d: {  	s2 =	sadd.s32 s2, s17  }
0x8e: {  	[smem:$0x3FC4] =	sst s2  }
0x8f: {  	_ = 	snop  }
0x90: {  	s2 =	sld [smem:$0x3FD0];
	(tm) =	ssettm $0x1  }
0x91: {  	s18 =	sld [smem:$0x3FFB];
	_ =	sdelay $0x3  }
0x92: {  	_ =	strace s18  }
0x93: {  	s3 =	sld [smem:$0x3FFC];
	_ =	sdelay $0x3  }
0x94: {  	_ =	strace s3  }
0x95: {  	s3 =	sld [smem:$0x3FFD];
	_ =	sdelay $0x3  }
0x96: {  	_ =	strace s3  }
0x97: {  	_ =	strace $0x8FFFFFFF  }
0x98: {  	s19 =	sld [smem:$0x3FDB];
	_ =	sdelay $0x1  }
0x99: {  	s4 =	simm.s32 $_scs_section_size  }
0x9a: {  	s5 =	simm.s32 $_size__tile_overlayer_lowered;
	s6 =	simm.s32 $_tile_overlayer_lowered  }
0x9b: {  	s22 =	simm.s32 $0x1BFF;
	s21 =	sshll.u32 s6, $0x1;
	s3 =	sadd.s32 s4, s19  }
0x9c: {  	s7 =	simm.s32 $0x0;
	s20 =	sshll.u32 s5, $0x1;
	s5 =	sadd.s32 s21, s3  }
0x9d: {  	[timem:s7], [sflag:s22] =	dma.local [hbm:s5], s20  }
0x9e: {  	_ =	swait.ge [sflag:s22], s20  }
0x9f: {  	s4 =	ssub.s32 $0x0, s20;
	[sflag:s22] =	ssyncset.done $0x0  }
0xa0: {  	[sflag:s22] =	ssyncadd.s32 s4;
	_ =	sdelay $0x1  }
0xa1: {  	s23 =	simm.s32 $0x1B8B  }
0xa2: {  	_ =	swait.ge [sflag:s23], $0x1  }
0xa3: {  	[sflag:s23] =	ssyncset.done $0x0  }
0xa4: {  	s25 =	simm.s32 $0x1B8E;
	s24 =	sld [smem:$0x3FFE];
	[sflag:s23] =	ssyncadd.s32 $0xFFFFFFFF  }
0xa5: {  	s26 =	simm.s32 $execute0_lowered;
	[smem:$0x3FD2] =	sst s25  }
0xa6: {  	s5 =	sshll.u32 s26, $0x1;
	_ =	strace $0x80000046;
	[dreg:$0x1] =	wrdreg $0xFFFFFFFF  }
0xa7: {  	s28 =	simm.s32 $_size_execute0_lowered;
	s3 =	sadd.s32 s3, s5;
	[dreg:$0x0] =	wrdreg $0x0  }
0xa8: {  	s5 =	sshll.u32 s28, $0x1;
	[dreg:$0x2] =	wrdreg s3  }
0xa9: {  	[dreg:$0x3] =	wrdreg s5  }
0xaa: {  	[dreg:$0x4] =	wrdreg $0xC0  }
0xab: {  	_ =	task [dreg:s7], $0x5FFFF  }
0xac: {  	[dreg:$0x1] =	wrdreg $0xFFFFFFFF  }
0xad: {  	[dreg:$0x0] =	wrdreg $0x60  }
0xae: {  	[dreg:$0x2] =	wrdreg s24  }
0xaf: {  	[dreg:$0x3] =	wrdreg s2  }
0xb0: {  	[dreg:$0x4] =	wrdreg $0x9  }
0xb1: {  	_ =	task.clear_ibuf [dreg:s7], $0x5FFFF;
	_ =	strace $0x90000046  }
0xb2: {  	s29 =	simm.s32 $0x9;
	_ =	strace $0x80000048  }
0xb3: {  	_ =	swait.ge [sflag:s29], $0x1  }
0xb4: {  	[sflag:s29] =	ssyncadd.s32 $0xFFFFFFFF  }
0xb5: {  	_ =	strace $0x90000048  }
0xb6: {  	_ =	sfence  }
0xb7: {  	s30 =	sld [smem:$0x0];
	_ =	sdelay $0x2  }
0xb8: {  	s31 =	sshll.u32 s1, $0xD;
	s1 =	sshrl.u32 s1, $0x2  }
0xb9: {  	s3 =	sand.u32 $0x4000, s31;
	s1 =	sadd.s32 s1, s30  }
0xba: {  	s0 =	sor.u32 s3, s0;
	s1 =	sshll.u32 s1, $0x11  }
0xbb: {  	s0 =	sor.u32 s1, s0  }
0xbc: {  	s0 =	sadd.s32 $0x8F2B, s0  }
0xbd: {  	[sflag:s0] =	ssyncadd.remote.s32 $0x1  }
0xbe: {  	_ =	sfence.sel $0xFFFF  }
0xbf: {  	[dreg:$0x0] =	wrdreg $0xFFFFFFFF;
	(pc) =	sbr.abs _section_cstart, $3  }
0xc0: {  	[dreg:$0x1] =	wrdreg $0xFFFFFFFF  }
0xc1: {  	_ =	task.clear_ibuf [dreg:s7], $0x2FFFF;
	_ =	strace $0x9FFFFFFF  }
0xc2: {  	(tm) =	ssettm $0x7FFFFFFF  }
0xc3: {  	_ =	shalt  }
tec
execute0_lowered:
.L_overlay_start_1:
0x0: {  	(tag) =	ssettag $0x1  }
0x1: {  	s1 =	srdreg.scid  }
0x2: {  	s0 =	stileid.u32;
	s5 =	rddreg [dreg:$0x0]  }
0x3: {  	s2 =	rddreg [dreg:$0x1];
	s3 =	simm.s32 $0x0;
	s13 =	simm.s32 $0x12400  }
0x4: {  	s14 =	simm.s32 $0x1;
	s15 =	simm.s32 $0x16400;
	s16 =	simm.s32 $0x2  }
0x5: {  	s17 =	simm.s32 $0x6;
	s18 =	simm.s32 $0x3;
	s19 =	simm.s32 $0x7  }
0x6: {  	s20 =	simm.s32 $0x4;
	s21 =	simm.s32 $0x8;
	s22 =	simm.s32 $0x5  }
0x7: {  	s23 =	simm.s32 $0x9;
	s24 =	simm.s32 $0xA;
	s8 =	smul.u32 $0x190, s0  }
0x8: {  	s25 =	simm.s32 $0x0;
	s6 =	sand.u32 $0x1, s1;
	s11 =	smul.u32 $0xC8000, s0  }
0x9: {  	s29 =	sshll.u32 s0, $0x1;
	[smem:$0x7FF] =	sst s3;
	s9 =	smul.u32 $0xC8, s6  }
0xa: {  	s4 =	sor.u32 s6, s29;
	s10 =	ssub.s32 $0x2, s6;
	s6 =	smul.u32 $0x64000, s6  }
0xb: {  	_ =	strace $0x80000047;
	s7 =	smul.u32 $0xC80, s4;
	s12 =	sshrl.u32 s10, $0x1  }
0xc: {  	s4 =	sadd.s32 $0x19800, s5;
	s8 =	sadd.s32 s9, s8;
	s30 =	ssub.s32 s10, s12  }
0xd: {  	s31 =	sadd.s32 s6, s11;
	s9 =	simm.s32 $0x6400;
	s10 =	simm.s32 $0xA400  }
0xe: {  	s12 =	simm.s32 $0xE400;
	s5 =	sadd.s32 s7, s5;
	s8 =	sshll.u32 s8, $0xB  }
0xf: {  	s6 =	smax.u32 s30, $0x1;
	[dreg:$0x4] =	wrdreg s31;
	s7 =	simm.s32 $0xB  }
0x10: {  	s5 =	sadd.s32 $0x800, s5;
	[dreg:$0x3] =	wrdreg s8;
	s8 =	simm.s32 $0x80  }
.LBB2_1:
0x11: {  	[tilespmem:s3], [sflag:$0xB] =	stream.linear.gather [hbm4b:s5+s3], $0x6400, $0x38;
	[tilespmem:$0x1A400] =	vst v63  }
0x12: {  	_ =	swait.ge [sflag:s7], $0x6400  }
0x13: {  	[sflag:s7] =	ssyncset.done $0x0  }
0x14: {  	[sflag:s7] =	ssyncadd.s32 $0xFFFF9C00  }
0x15: {  	[tilespmem:s9], [sflag:$0x1] =	stream.indirect.gather [hbm4b:s4+s8], $0x80, s3, s8, $0xb8;
	[tilespmem:$0x1A400] =	vst v63  }
0x16: {  	p0 =	por $0x1, $0x1  }
0x17: {  	[tilespmem:s10], [sflag:$0x2] =	stream.indirect.gather [hbm4b:s4+s8], $0x80, s8, s8, $0xb8;
	[tilespmem:$0x1A400] =	vst v63  }
0x18: {  	s0 =	simm.s32 $0x100;
	s26 =	simm.s32 @!p0 $0x9  }
0x19: {  	[tilespmem:s12], [sflag:$0x3] =	stream.indirect.gather [hbm4b:s4+s8], $0x80, s0, s8, $0xb8;
	[tilespmem:$0x1A400] =	vst v63  }
0x1a: {  	_ =	swait.ge @!p0 [sflag:s26], $0x4000  }
0x1b: {  	[sflag:s26] =	ssyncset.done @!p0 $0x0  }
0x1c: {  	s1 =	simm.s32 $0x180;
	[sflag:s26] =	ssyncadd.s32 @!p0 $0xFFFFC000  }
0x1d: {  	[tilespmem:s13], [sflag:$0x4] =	stream.indirect.gather [hbm4b:s4+s8], $0x80, s1, s8, $0xb8;
	[tilespmem:$0x1A400] =	vst v63  }
0x1e: {  	_ =	swait.ge [sflag:s14], $0x4000  }
0x1f: {  	s11 =	rddreg [dreg:$0x4];
	[sflag:s14] =	ssyncset.done $0x0  }
0x20: {  	s28 =	simm.s32 @!p0 $0xA;
	[sflag:s14] =	ssyncadd.s32 $0xFFFFC000;
	s26 =	sadd.s32 s2, s11  }
0x21: {  	[hbm4b:s26+s3] =	stream.linear.scatter [tilespmem:s9], [sflag:$0x6], $0x4000, $0x38;
	[tilespmem:$0x1A400] =	vst v63  }
0x22: {  	_ =	swait.ge @!p0 [sflag:s28], $0x4000  }
0x23: {  	[sflag:s28] =	ssyncset.done @!p0 $0x0  }
0x24: {  	s30 =	simm.s32 $0x200;
	[sflag:s28] =	ssyncadd.s32 @!p0 $0xFFFFC000  }
0x25: {  	[tilespmem:s15], [sflag:$0x5] =	stream.indirect.gather [hbm4b:s4+s8], $0x80, s30, s8, $0xb8;
	[tilespmem:$0x1A400] =	vst v63  }
0x26: {  	_ =	swait.ge [sflag:s16], $0x4000  }
0x27: {  	s0 =	rddreg [dreg:$0x3]  }
0x28: {  	[sflag:s16] =	ssyncset.done $0x0;
	s30 =	sadd.s32 s2, s0  }
0x29: {  	[sflag:s16] =	ssyncadd.s32 $0xFFFFC000;
	s26 =	sadd.s32 $0x800, s30  }
0x2a: {  	[hbm4b:s26+s3] =	stream.linear.scatter [tilespmem:s10], [sflag:$0x7], $0x4000, $0x38;
	[tilespmem:$0x1A400] =	vst v63  }
0x2b: {  	p0 =	por $0x0, $0x0;
	_ =	swait.ge [sflag:s17], $0x4000  }
0x2c: {  	s28 =	simm.s32 @!p0 $0x280;
	[sflag:s17] =	ssyncset.done $0x0  }
0x2d: {  	s29 =	simm.s32 @!p0 $0x80;
	s26 =	simm.s32 @!p0 $0x6400;
	[sflag:s17] =	ssyncadd.s32 $0xFFFFC000  }
0x2e: {  	[tilespmem:s26], [sflag:$0x1] =	stream.indirect.gather @!p0 [hbm4b:s4+s29], $0x80, s28, s29, $0xb8;
	[tilespmem:$0x1A400] =	vst v63  }
0x2f: {  	_ =	swait.ge [sflag:s18], $0x4000  }
0x30: {  	[sflag:s18] =	ssyncset.done $0x0  }
0x31: {  	s1 =	sadd.s32 $0x1000, s30;
	[sflag:s18] =	ssyncadd.s32 $0xFFFFC000  }
0x32: {  	[hbm4b:s1+s3] =	stream.linear.scatter [tilespmem:s12], [sflag:$0x8], $0x4000, $0x38;
	[tilespmem:$0x1A400] =	vst v63  }
0x33: {  	_ =	swait.ge [sflag:s19], $0x4000  }
0x34: {  	[sflag:s19] =	ssyncset.done $0x0  }
0x35: {  	s26 =	simm.s32 @!p0 $0x300;
	s28 =	simm.s32 @!p0 $0xA400;
	[sflag:s19] =	ssyncadd.s32 $0xFFFFC000  }
0x36: {  	[tilespmem:s28], [sflag:$0x2] =	stream.indirect.gather @!p0 [hbm4b:s4+s29], $0x80, s26, s29, $0xb8;
	[tilespmem:$0x1A400] =	vst v63  }
0x37: {  	_ =	swait.ge [sflag:s20], $0x4000  }
0x38: {  	[sflag:s20] =	ssyncset.done $0x0  }
0x39: {  	s11 =	sadd.s32 $0x1800, s30;
	[sflag:s20] =	ssyncadd.s32 $0xFFFFC000  }
0x3a: {  	[hbm4b:s11+s3] =	stream.linear.scatter [tilespmem:s13], [sflag:$0x9], $0x4000, $0x38;
	[tilespmem:$0x1A400] =	vst v63  }
0x3b: {  	_ =	swait.ge [sflag:s21], $0x4000  }
0x3c: {  	p1 =	por $0x0, $0x0;
	[sflag:s21] =	ssyncset.done $0x0  }
0x3d: {  	s26 =	simm.s32 @!p0 $0x380;
	s28 =	simm.s32 @!p0 $0xE400;
	[sflag:s21] =	ssyncadd.s32 $0xFFFFC000  }
0x3e: {  	[tilespmem:s28], [sflag:$0x3] =	stream.indirect.gather @!p0 [hbm4b:s4+s29], $0x80, s26, s29, $0xb8;
	[tilespmem:$0x1A400] =	vst v63  }
0x3f: {  	s31 =	sadd.s32 $0x2000, s30;
	s28 =	simm.s32 $0xA00;
	_ =	swait.ge [sflag:s22], $0x4000  }
0x40: {  	s29 =	simm.s32 $0x1400;
	s26 =	sadd.s32 $0x2800, s2;
	[sflag:s22] =	ssyncset.done $0x0  }
.LBB2_2:
0x41: {  	s1 =	simm.s32 @!p1 $0x9;
	[sflag:s22] =	ssyncadd.s32 $0xFFFFC000  }
0x42: {  	[hbm4b:s31+s3] =	stream.linear.scatter [tilespmem:s15], [sflag:$0xA], $0x4000, $0x38;
	[tilespmem:$0x1A400] =	vst v63  }
0x43: {  	_ =	swait.ge @!p1 [sflag:s1], $0x4000  }
0x44: {  	s31 =	sshra.s32 s28, $0x2;
	[sflag:s1] =	ssyncset.done @!p1 $0x0  }
0x45: {  	s11 =	sadd.s32 $0x180, s31;
	[sflag:s1] =	ssyncadd.s32 @!p1 $0xFFFFC000  }
0x46: {  	[tilespmem:s13], [sflag:$0x4] =	stream.indirect.gather [hbm4b:s4+s8], $0x80, s11, s8, $0xb8;
	[tilespmem:$0x1A400] =	vst v63  }
0x47: {  	_ =	swait.ge [sflag:s14], $0x4000  }
0x48: {  	s0 =	rddreg [dreg:$0x4];
	[sflag:s14] =	ssyncset.done $0x0  }
0x49: {  	[sflag:s14] =	ssyncadd.s32 $0xFFFFC000;
	s1 =	sadd.s32 s26, s0;
	s0 =	simm.s32 @!p1 $0xA  }
0x4a: {  	[hbm4b:s1+s3] =	stream.linear.scatter [tilespmem:s9], [sflag:$0x6], $0x4000, $0x38;
	[tilespmem:$0x1A400] =	vst v63  }
0x4b: {  	_ =	swait.ge @!p1 [sflag:s0], $0x4000  }
0x4c: {  	[sflag:s0] =	ssyncset.done @!p1 $0x0  }
0x4d: {  	s1 =	sadd.s32 $0x200, s31;
	[sflag:s0] =	ssyncadd.s32 @!p1 $0xFFFFC000  }
0x4e: {  	[tilespmem:s15], [sflag:$0x5] =	stream.indirect.gather [hbm4b:s4+s8], $0x80, s1, s8, $0xb8;
	[tilespmem:$0x1A400] =	vst v63  }
0x4f: {  	_ =	swait.ge [sflag:s16], $0x4000  }
0x50: {  	s11 =	rddreg [dreg:$0x3]  }
0x51: {  	[sflag:s16] =	ssyncset.done $0x0;
	s31 =	sadd.s32 s26, s11  }
0x52: {  	[sflag:s16] =	ssyncadd.s32 $0xFFFFC000;
	s0 =	sadd.s32 $0x800, s31  }
0x53: {  	[hbm4b:s0+s3] =	stream.linear.scatter [tilespmem:s10], [sflag:$0x7], $0x4000, $0x38;
	[tilespmem:$0x1A400] =	vst v63  }
0x54: {  	p1 =	seq.s32 s28, $0x18600;
	_ =	swait.ge [sflag:s17], $0x4000  }
0x55: {  	s1 =	simm.s32 @!p1 $0x6400;
	s0 =	sshra.s32 @!p1 s28, $0x2;
	[sflag:s17] =	ssyncset.done $0x0  }
0x56: {  	s11 =	simm.s32 @!p1 $0x80;
	s28 =	sadd.s32 @!p1 $0x280, s0;
	[sflag:s17] =	ssyncadd.s32 $0xFFFFC000  }
0x57: {  	[tilespmem:s1], [sflag:$0x1] =	stream.indirect.gather @!p1 [hbm4b:s4+s11], $0x80, s28, s11, $0xb8;
	[tilespmem:$0x1A400] =	vst v63  }
0x58: {  	_ =	swait.ge [sflag:s18], $0x4000  }
0x59: {  	s30 =	smov.u32 s29;
	[sflag:s18] =	ssyncset.done $0x0  }
0x5a: {  	s28 =	smov.u32 s30;
	s30 =	sadd.s32 $0x1000, s31;
	[sflag:s18] =	ssyncadd.s32 $0xFFFFC000  }
0x5b: {  	[hbm4b:s30+s3] =	stream.linear.scatter [tilespmem:s12], [sflag:$0x8], $0x4000, $0x38;
	[tilespmem:$0x1A400] =	vst v63  }
0x5c: {  	_ =	swait.ge [sflag:s19], $0x4000  }
0x5d: {  	[sflag:s19] =	ssyncset.done $0x0  }
0x5e: {  	s1 =	sadd.s32 @!p1 $0x300, s0;
	s30 =	simm.s32 @!p1 $0xA400;
	[sflag:s19] =	ssyncadd.s32 $0xFFFFC000  }
0x5f: {  	[tilespmem:s30], [sflag:$0x2] =	stream.indirect.gather @!p1 [hbm4b:s4+s11], $0x80, s1, s11, $0xb8;
	[tilespmem:$0x1A400] =	vst v63  }
0x60: {  	_ =	swait.ge [sflag:s20], $0x4000  }
0x61: {  	[sflag:s20] =	ssyncset.done $0x0  }
0x62: {  	s29 =	sadd.s32 $0xA00, s29;
	s30 =	sadd.s32 $0x1800, s31;
	[sflag:s20] =	ssyncadd.s32 $0xFFFFC000  }
0x63: {  	[hbm4b:s30+s3] =	stream.linear.scatter [tilespmem:s13], [sflag:$0x9], $0x4000, $0x38;
	[tilespmem:$0x1A400] =	vst v63  }
0x64: {  	p0 =	sne.s32 s29, $0x19000;
	_ =	swait.ge [sflag:s21], $0x4000  }
.Ltmp0:
0x65: {  	[sflag:s21] =	ssyncset.done $0x0;
	(pc) =	sbr.rel @p0 .LBB2_2-.Ltmp0, $4  }
0x66: {  	s0 =	sadd.s32 @!p1 $0x380, s0;
	s1 =	simm.s32 @!p1 $0xE400;
	[sflag:s21] =	ssyncadd.s32 $0xFFFFC000  }
0x67: {  	[tilespmem:s1], [sflag:$0x3] =	stream.indirect.gather @!p1 [hbm4b:s4+s11], $0x80, s0, s11, $0xb8;
	[tilespmem:$0x1A400] =	vst v63  }
0x68: {  	s26 =	sadd.s32 $0x2800, s26;
	_ =	swait.ge [sflag:s22], $0x4000  }
0x69: {  	s31 =	sadd.s32 $0x2000, s31;
	p1 =	seq.s32 s28, $0x0;
	[sflag:s22] =	ssyncset.done $0x0  }
0x6a: {  	s0 =	simm.s32 @!p1 $0x9;
	[sflag:s22] =	ssyncadd.s32 $0xFFFFC000  }
0x6b: {  	[hbm4b:s31+s3] =	stream.linear.scatter [tilespmem:s15], [sflag:$0xA], $0x4000, $0x38;
	[tilespmem:$0x1A400] =	vst v63  }
0x6c: {  	_ =	swait.ge @!p1 [sflag:s0], $0x4000  }
0x6d: {  	s1 =	sshra.s32 s28, $0x2;
	[sflag:s0] =	ssyncset.done @!p1 $0x0  }
0x6e: {  	s30 =	sadd.s32 $0x180, s1;
	[sflag:s0] =	ssyncadd.s32 @!p1 $0xFFFFC000  }
0x6f: {  	[tilespmem:s13], [sflag:$0x4] =	stream.indirect.gather [hbm4b:s4+s8], $0x80, s30, s8, $0xb8;
	[tilespmem:$0x1A400] =	vst v63  }
0x70: {  	_ =	swait.ge [sflag:s14], $0x4000  }
0x71: {  	s31 =	rddreg [dreg:$0x4];
	[sflag:s14] =	ssyncset.done $0x0  }
0x72: {  	s11 =	simm.s32 @!p1 $0xA;
	[sflag:s14] =	ssyncadd.s32 $0xFFFFC000;
	s0 =	sadd.s32 s26, s31  }
0x73: {  	[hbm4b:s0+s3] =	stream.linear.scatter [tilespmem:s9], [sflag:$0x6], $0x4000, $0x38;
	[tilespmem:$0x1A400] =	vst v63  }
0x74: {  	_ =	swait.ge @!p1 [sflag:s11], $0x4000  }
0x75: {  	[sflag:s11] =	ssyncset.done @!p1 $0x0  }
0x76: {  	s1 =	sadd.s32 $0x200, s1;
	[sflag:s11] =	ssyncadd.s32 @!p1 $0xFFFFC000  }
0x77: {  	[tilespmem:s15], [sflag:$0x5] =	stream.indirect.gather [hbm4b:s4+s8], $0x80, s1, s8, $0xb8;
	[tilespmem:$0x1A400] =	vst v63  }
0x78: {  	_ =	swait.ge [sflag:s16], $0x4000  }
0x79: {  	s11 =	rddreg [dreg:$0x3]  }
0x7a: {  	[sflag:s16] =	ssyncset.done $0x0;
	s0 =	sadd.s32 s26, s11  }
0x7b: {  	[sflag:s16] =	ssyncadd.s32 $0xFFFFC000;
	s29 =	sadd.s32 $0x800, s0  }
0x7c: {  	[hbm4b:s29+s3] =	stream.linear.scatter [tilespmem:s10], [sflag:$0x7], $0x4000, $0x38;
	[tilespmem:$0x1A400] =	vst v63  }
0x7d: {  	p0 =	seq.s32 s28, $0x18600;
	_ =	swait.ge [sflag:s17], $0x4000  }
0x7e: {  	s1 =	sshra.s32 @!p0 s28, $0x2;
	s28 =	simm.s32 @!p0 $0x80;
	[sflag:s17] =	ssyncset.done $0x0  }
0x7f: {  	s11 =	simm.s32 @!p0 $0x6400;
	s26 =	sadd.s32 @!p0 $0x280, s1;
	[sflag:s17] =	ssyncadd.s32 $0xFFFFC000  }
0x80: {  	[tilespmem:s11], [sflag:$0x1] =	stream.indirect.gather @!p0 [hbm4b:s4+s28], $0x80, s26, s28, $0xb8;
	[tilespmem:$0x1A400] =	vst v63  }
0x81: {  	_ =	swait.ge [sflag:s18], $0x4000  }
0x82: {  	[sflag:s18] =	ssyncset.done $0x0  }
0x83: {  	s30 =	sadd.s32 $0x1000, s0;
	[sflag:s18] =	ssyncadd.s32 $0xFFFFC000  }
0x84: {  	[hbm4b:s30+s3] =	stream.linear.scatter [tilespmem:s12], [sflag:$0x8], $0x4000, $0x38;
	[tilespmem:$0x1A400] =	vst v63  }
0x85: {  	_ =	swait.ge [sflag:s19], $0x4000  }
0x86: {  	[sflag:s19] =	ssyncset.done $0x0  }
0x87: {  	s11 =	sadd.s32 @!p0 $0x300, s1;
	s26 =	simm.s32 @!p0 $0xA400;
	[sflag:s19] =	ssyncadd.s32 $0xFFFFC000  }
0x88: {  	[tilespmem:s26], [sflag:$0x2] =	stream.indirect.gather @!p0 [hbm4b:s4+s28], $0x80, s11, s28, $0xb8;
	[tilespmem:$0x1A400] =	vst v63  }
0x89: {  	_ =	swait.ge [sflag:s20], $0x4000  }
0x8a: {  	[sflag:s20] =	ssyncset.done $0x0  }
0x8b: {  	s31 =	sadd.s32 $0x1800, s0;
	[sflag:s20] =	ssyncadd.s32 $0xFFFFC000  }
0x8c: {  	[hbm4b:s31+s3] =	stream.linear.scatter [tilespmem:s13], [sflag:$0x9], $0x4000, $0x38;
	[tilespmem:$0x1A400] =	vst v63  }
0x8d: {  	_ =	swait.ge [sflag:s21], $0x4000  }
0x8e: {  	[sflag:s21] =	ssyncset.done $0x0  }
0x8f: {  	s1 =	sadd.s32 @!p0 $0x380, s1;
	s11 =	simm.s32 @!p0 $0xE400;
	[sflag:s21] =	ssyncadd.s32 $0xFFFFC000  }
0x90: {  	[tilespmem:s11], [sflag:$0x3] =	stream.indirect.gather @!p0 [hbm4b:s4+s28], $0x80, s1, s28, $0xb8;
	[tilespmem:$0x1A400] =	vst v63  }
0x91: {  	_ =	swait.ge [sflag:s22], $0x4000  }
0x92: {  	[sflag:s22] =	ssyncset.done $0x0  }
0x93: {  	s25 =	sadd.s32 $0x1, s25;
	s0 =	sadd.s32 $0x2000, s0;
	[sflag:s22] =	ssyncadd.s32 $0xFFFFC000  }
0x94: {  	[hbm4b:s0+s3] =	stream.linear.scatter [tilespmem:s15], [sflag:$0xA], $0x4000, $0x38;
	[tilespmem:$0x1A400] =	vst v63  }
0x95: {  	p0 =	sne.s32 s25, s6;
	_ =	swait.ge [sflag:s23], $0x4000  }
.Ltmp1:
0x96: {  	[sflag:s23] =	ssyncset.done $0x0;
	(pc) =	sbr.rel @p0 .LBB2_1-.Ltmp1, $4  }
0x97: {  	[sflag:s23] =	ssyncadd.s32 $0xFFFFC000  }
0x98: {  	_ =	swait.ge [sflag:s24], $0x4000  }
0x99: {  	[sflag:s24] =	ssyncset.done $0x0  }
0x9a: {  	[sflag:s24] =	ssyncadd.s32 $0xFFFFC000  }
0x9b: {  	_ =	sfence.sel $0x180000  }
0x9c: {  	[bflag:$0x0] =	sbarrier.arrive $0xFFFF  }
0x9d: {  	_ =	strace $0x90000047  }
0x9e: {  	s0 =	stileid.u32;
	[bflag:$0x2] =	sbarrier.arrive $0xFFFF  }
0x9f: {  	p0 =	sne.s32 s0, $0x0;
	s0 =	rddreg [dreg:$0x2]  }
0xa0: {  	s0 =	sadd.s32 @!p0 $0x100000, s0  }
0xa1: {  	[sflag:s0] =	ssyncadd.tile.s32 @!p0 $0x1;
	_ =	shalt  }
.Lfunc_end2:
_tile_overlayer_lowered:
.L_overlay_start_2:
0xa2: {  	(tag) =	ssettag $0x2  }
0xa3: {  	s0 =	rddreg [dreg:$0x0];
	s2 =	stileid.u32  }
0xa4: {  	s1 =	rddreg [dreg:$0x1];
	p0 =	sne.s32 s2, $0x0  }
0xa5: {  	s3 =	rddreg [dreg:$0x2];
	[bflag:$0x3] =	sbarrier.arrive $0xFFFF;
	s2 =	simm.s32 @!p0 $0x1C0B  }
0xa6: {  	[timem:s3], [sflag:s2] =	dma.local @!p0 [hbm:s0], s1  }
0xa7: {  	s0 =	simm.s32 @!p0 $0xB  }
0xa8: {  	_ =	swait.ge @!p0 [sflag:s0], s1  }
0xa9: {  	s1 =	ssub.s32 @!p0 $0x0, s1;
	[sflag:s0] =	ssyncset.done @!p0 $0x0  }
0xaa: {  	[sflag:s0] =	ssyncadd.s32 @!p0 s1  }
0xab: {  	[bflag:$0x3] =	sbarrier.arrive $0xFFFF  }
0xac: {  	_ =	shalt  }

</sc_bundles>
